<compile_context>
chip_gen: v7x
topology: tpu7x:2x2x1
jax: 0.10.2.dev20260603
libtpu: 0.0.44.dev20260713+nightly
codegen_flags: <defaults>
</compile_context>

<pallas_src>
import functools

import jax
import jax.numpy as jnp
from jax import lax
from jax.experimental import pallas as pl
from jax.experimental.pallas import tpu as pltpu
from jax.experimental.pallas import tpu_sc as plsc

N_EMB = 8192
EMB_DIM = 32
BETA = 0.25
B, T = 16, 1024
M_TOTAL = B * T
M_BLK = 512
N_BLKS = M_TOTAL // M_BLK
K_CHUNK = 4096
N_CHUNKS = N_EMB // K_CHUNK

NW = 32
ROWS_PER_W = M_TOTAL // NW
IDX_CHUNK = 128
N_IDX_CHUNKS = ROWS_PER_W // IDX_CHUNK


def _vq_tc_body(z_ref, emb_ref, bsq_ref, idx_ref, loss_ref):
    z = z_ref[...]
    a = jnp.sum(z * z, axis=1, keepdims=True)
    carry = jnp.full((M_BLK, 1), jnp.inf, dtype=jnp.float32)
    run_val = jnp.zeros((M_BLK, 1), dtype=jnp.float32)
    run_idx = jnp.zeros((M_BLK, 1), dtype=jnp.int32)
    for c in range(N_CHUNKS):
        e = emb_ref[pl.ds(c * K_CHUNK, K_CHUNK), :]
        m = lax.dot_general(z, e, (((1,), (1,)), ((), ())),
                            preferred_element_type=jnp.float32)
        b = bsq_ref[:, pl.ds(c * K_CHUNK, K_CHUNK)]
        d = (a + b) - 2.0 * m
        lmin = jnp.min(d, axis=1, keepdims=True)
        ii = lax.broadcasted_iota(jnp.int32, d.shape, 1)
        lidx = jnp.min(jnp.where(d == lmin, ii, K_CHUNK),
                       axis=1, keepdims=True) + c * K_CHUNK
        take = lmin < carry
        carry = jnp.where(take, lmin, carry).astype(jnp.bfloat16).astype(
            jnp.float32)
        run_val = jnp.where(take, lmin, run_val)
        run_idx = jnp.where(take, lidx, run_idx)
    idx_ref[...] = run_idx

    @pl.when(pl.program_id(0) == 0)
    def _():
        loss_ref[...] = jnp.zeros((1, 1), jnp.float32)

    loss_ref[...] = loss_ref[...] + jnp.sum(run_val)[None, None]


_vq_tc = pl.pallas_call(
    _vq_tc_body,
    grid=(N_BLKS,),
    in_specs=[
        pl.BlockSpec((M_BLK, EMB_DIM), lambda i: (i, 0)),
        pl.BlockSpec((N_EMB, EMB_DIM), lambda i: (0, 0)),
        pl.BlockSpec((1, N_EMB), lambda i: (0, 0)),
    ],
    out_specs=[
        pl.BlockSpec((M_BLK, 1), lambda i: (i, 0)),
        pl.BlockSpec((1, 1), lambda i: (0, 0)),
    ],
    out_shape=[
        jax.ShapeDtypeStruct((M_TOTAL, 1), jnp.int32),
        jax.ShapeDtypeStruct((1, 1), jnp.float32),
    ],
    compiler_params=pltpu.CompilerParams(
        dimension_semantics=("arbitrary",),
    ),
)


@functools.cache
def _make_sc_gather():
    mesh = plsc.VectorSubcoreMesh(core_axis_name="c", subcore_axis_name="s")

    @functools.partial(
        pl.kernel,
        mesh=mesh,
        out_type=jax.ShapeDtypeStruct((M_TOTAL, EMB_DIM), jnp.float32),
        scratch_types=[
            pltpu.VMEM((N_IDX_CHUNKS, IDX_CHUNK), jnp.int32),
            pltpu.VMEM((ROWS_PER_W, EMB_DIM), jnp.float32),
            pltpu.SemaphoreType.DMA,
        ],
        compiler_params=pltpu.CompilerParams(use_tc_tiling_on_sc=False),
    )
    def sc_gather(table_hbm, idx_hbm, out_hbm, idx_v, rows_v, sem):
        wid = lax.axis_index("s") * 2 + lax.axis_index("c")
        base = wid * ROWS_PER_W
        pltpu.sync_copy(idx_hbm.at[wid], idx_v)
        for k in range(N_IDX_CHUNKS):
            pltpu.async_copy(
                table_hbm.at[idx_v.at[k]],
                rows_v.at[pl.ds(k * IDX_CHUNK, IDX_CHUNK)],
                sem,
            ).wait()
        pltpu.sync_copy(rows_v, out_hbm.at[pl.ds(base, ROWS_PER_W)])

    return sc_gather


def kernel(z, embedding_weight):
    zp = jnp.transpose(z, (0, 2, 1))
    z_flat = zp.reshape(M_TOTAL, EMB_DIM)
    bsq = jnp.sum(embedding_weight ** 2, axis=1)[None, :]

    idx2, loss_sum = _vq_tc(z_flat, embedding_weight, bsq)
    indices = idx2.reshape(M_TOTAL)

    idx_sc = indices.reshape(NW, N_IDX_CHUNKS, IDX_CHUNK)
    zq_flat = _make_sc_gather()(embedding_weight, idx_sc)

    zq = zq_flat.reshape(B, T, EMB_DIM)
    zq_st = zp + (zq - zp)
    out = jnp.transpose(zq_st, (0, 2, 1))
    loss = (loss_sum[0, 0] / (M_TOTAL * EMB_DIM)) * (1.0 + BETA)
    return (out, loss, (None, None, indices))

# --- scband reference (transcript-rebuilt; emitter-appended) ---
"""Pipeline reference for scband-vector-quantizer-83734682403296 (READ-ONLY COPY).

The authoritative reference and input builder live on the scoring server;
editing this copy changes nothing except your own understanding.
"""

import jax, jax.numpy as jnp
import numpy as np

N_EMB = 8192
EMB_DIM = 32
BETA = 0.25


def setup_inputs(seed: int = 0) -> dict:
    key = jax.random.key(seed)
    k1, k2 = jax.random.split(key)
    z = jax.random.normal(k1, (16, 32, 1024), dtype=jnp.float32)
    embedding_weight = jax.random.uniform(
        k2, (N_EMB, EMB_DIM), minval=-1.0 / N_EMB, maxval=1.0 / N_EMB, dtype=jnp.float32
    )
    return {"z": z, "embedding_weight": embedding_weight}


def reference(z, embedding_weight):
    # z: [B, emb_dim, T] -> permute to [B, T, emb_dim]
    zp = jnp.transpose(z, (0, 2, 1))
    z_flatten = zp.reshape(-1, EMB_DIM)
    # squared L2 distances via addmm equivalent: ||z||^2 + ||e||^2 - 2 z e^T
    distances = (
        jnp.sum(z_flatten ** 2, axis=1, keepdims=True)
        + jnp.sum(embedding_weight ** 2, axis=1)
        - 2.0 * (z_flatten @ embedding_weight.T)
    )
    min_encoding_indices = jnp.argmin(distances, axis=-1)
    z_q = jnp.take(embedding_weight, min_encoding_indices, axis=0).reshape(zp.shape)
    perplexity = None
    min_encodings = None
    # legacy=True branch
    loss = jnp.mean((jax.lax.stop_gradient(z_q) - zp) ** 2) + BETA * jnp.mean(
        (z_q - jax.lax.stop_gradient(zp)) ** 2
    )
    # straight-through estimator
    z_q_st = zp + jax.lax.stop_gradient(z_q - zp)
    z_q_out = jnp.transpose(z_q_st, (0, 2, 1))
    return (z_q_out, loss, (perplexity, min_encodings, min_encoding_indices))

if __name__ == "__main__":
    import jax
    _d = setup_inputs()
    print(jax.jit(kernel)(*tuple(_d.values())))

</pallas_src>

<mosaic_0001>
#map = affine_map<(d0, d1) -> (0, 0)>
#map1 = affine_map<(d0, d1) -> (0, 0, 0)>
module attributes {stable_mosaic.version = 14 : i64} {
  func.func @sc_gather(%arg0: i32, %arg1: i32, %arg2: memref<8192x32xf32, #tpu.memory_space<hbm>>, %arg3: memref<32x4x128xi32, #tpu.memory_space<hbm>>, %arg4: memref<16384x32xf32, #tpu.memory_space<hbm>>, %arg5: memref<4x128xi32, #tpu.memory_space<vmem>>, %arg6: memref<512x32xf32, #tpu.memory_space<vmem>>, %arg7: memref<!tpu.dma_semaphore, #tpu.memory_space<semaphore_mem>>) attributes {dimension_semantics = [#tpu.dimension_semantics<core_parallel>, #tpu.dimension_semantics<subcore_parallel>], iteration_bounds = array<i64: 2, 16>, scalar_prefetch = 0 : i64, scratch_operands = 3 : i64, tpu.core_type = #tpu.core_type<sc_vector_subcore>, window_params = [{transform_indices = #map}, {transform_indices = #map1}, {transform_indices = #map}]} {
    %mul3A = arith.constant 2 : i32
    %mul3A_0 = arith.muli %arg1, %mul3A : i32
    %add3A = arith.addi %mul3A_0, %arg0 : i32
    %mul3A_1 = arith.constant 512 : i32
    %mul3A_2 = arith.muli %add3A, %mul3A_1 : i32
    "tpu.region"() ({
      %run_scoped3A = tpu.sem_alloc : memref<!tpu.dma_semaphore, #tpu.memory_space<semaphore_mem>>
      %dma_start3A_81 = arith.constant 0 : i32
      %dma_start3A_82 = arith.constant 0 : i32
      %dma_start3A_83 = tpu.memref_slice %arg3[%add3A, %dma_start3A_81, %dma_start3A_82] : memref<32x4x128xi32, #tpu.memory_space<hbm>> -> memref<1x4x128xi32, #tpu.memory_space<hbm>>
      %dma_start3A_84 = tpu.memref_squeeze %dma_start3A_83 : memref<1x4x128xi32, #tpu.memory_space<hbm>> -> memref<4x128xi32, #tpu.memory_space<hbm>>
      %dma_start3A_85 = arith.constant 0 : i32
      %dma_start3A_86 = arith.constant 0 : i32
      %dma_start3A_87 = tpu.memref_slice %arg3[%add3A, %dma_start3A_85, %dma_start3A_86] : memref<32x4x128xi32, #tpu.memory_space<hbm>> -> memref<1x4x128xi32, #tpu.memory_space<hbm>>
      %dma_start3A_88 = tpu.memref_squeeze %dma_start3A_87 : memref<1x4x128xi32, #tpu.memory_space<hbm>> -> memref<4x128xi32, #tpu.memory_space<hbm>>
      tpu.enqueue_dma source(%dma_start3A_88 : memref<4x128xi32, #tpu.memory_space<hbm>>) target(%arg5 : memref<4x128xi32, #tpu.memory_space<vmem>>) target_semaphore(%run_scoped3A : memref<!tpu.dma_semaphore, #tpu.memory_space<semaphore_mem>>)
      %dma_wait3A_89 = arith.constant 0 : i32
      %dma_wait3A_90 = arith.constant 0 : i32
      %dma_wait3A_91 = tpu.memref_slice %arg3[%add3A, %dma_wait3A_89, %dma_wait3A_90] : memref<32x4x128xi32, #tpu.memory_space<hbm>> -> memref<1x4x128xi32, #tpu.memory_space<hbm>>
      %dma_wait3A_92 = tpu.memref_squeeze %dma_wait3A_91 : memref<1x4x128xi32, #tpu.memory_space<hbm>> -> memref<4x128xi32, #tpu.memory_space<hbm>>
      %dma_wait3A_93 = arith.constant 0 : i32
      %dma_wait3A_94 = arith.constant 0 : i32
      %dma_wait3A_95 = tpu.memref_slice %arg3[%add3A, %dma_wait3A_93, %dma_wait3A_94] : memref<32x4x128xi32, #tpu.memory_space<hbm>> -> memref<1x4x128xi32, #tpu.memory_space<hbm>>
      %dma_wait3A_96 = tpu.memref_squeeze %dma_wait3A_95 : memref<1x4x128xi32, #tpu.memory_space<hbm>> -> memref<4x128xi32, #tpu.memory_space<hbm>>
      tpu.wait_dma2 semaphore(%run_scoped3A : memref<!tpu.dma_semaphore, #tpu.memory_space<semaphore_mem>>) src(%dma_wait3A_96 : memref<4x128xi32, #tpu.memory_space<hbm>>) dst(%arg5 : memref<4x128xi32, #tpu.memory_space<vmem>>)
      tpu.yield
    }) : () -> ()
    %dma_start3A = arith.constant 0 : i32
    %dma_start3A_3 = arith.constant 0 : i32
    %dma_start3A_4 = arith.constant 0 : i32
    %dma_start3A_5 = tpu.memref_slice %arg6[%dma_start3A_3, %dma_start3A_4] : memref<512x32xf32, #tpu.memory_space<vmem>> -> memref<128x32xf32, #tpu.memory_space<vmem>>
    %dma_start3A_6 = arith.constant 0 : i32
    %dma_start3A_7 = tpu.memref_slice %arg5[%dma_start3A, %dma_start3A_6] : memref<4x128xi32, #tpu.memory_space<vmem>> -> memref<1x128xi32, #tpu.memory_space<vmem>>
    %dma_start3A_8 = tpu.memref_squeeze %dma_start3A_7 : memref<1x128xi32, #tpu.memory_space<vmem>> -> memref<128xi32, #tpu.memory_space<vmem>>
    %dma_start3A_9 = arith.constant 0 : i32
    %dma_start3A_10 = arith.constant 0 : i32
    %dma_start3A_11 = tpu.memref_slice %arg2[%dma_start3A_9, %dma_start3A_10] : memref<8192x32xf32, #tpu.memory_space<hbm>> -> memref<8192x32xf32, #tpu.memory_space<hbm>>
    tpu.enqueue_indirect_dma source(%dma_start3A_11 : memref<8192x32xf32, #tpu.memory_space<hbm>>) target(%dma_start3A_5 : memref<128x32xf32, #tpu.memory_space<vmem>>) offsets(%dma_start3A_8 : memref<128xi32, #tpu.memory_space<vmem>>) semaphore(%arg7 : memref<!tpu.dma_semaphore, #tpu.memory_space<semaphore_mem>>)
    %dma_wait3A = arith.constant 0 : i32
    %dma_wait3A_12 = arith.constant 0 : i32
    %dma_wait3A_13 = arith.constant 0 : i32
    %dma_wait3A_14 = tpu.memref_slice %arg6[%dma_wait3A_12, %dma_wait3A_13] : memref<512x32xf32, #tpu.memory_space<vmem>> -> memref<128x32xf32, #tpu.memory_space<vmem>>
    %dma_wait3A_15 = arith.constant 0 : i32
    %dma_wait3A_16 = tpu.memref_slice %arg5[%dma_wait3A, %dma_wait3A_15] : memref<4x128xi32, #tpu.memory_space<vmem>> -> memref<1x128xi32, #tpu.memory_space<vmem>>
    %dma_wait3A_17 = tpu.memref_squeeze %dma_wait3A_16 : memref<1x128xi32, #tpu.memory_space<vmem>> -> memref<128xi32, #tpu.memory_space<vmem>>
    %dma_wait3A_18 = arith.constant 0 : i32
    %dma_wait3A_19 = arith.constant 0 : i32
    %dma_wait3A_20 = tpu.memref_slice %arg2[%dma_wait3A_18, %dma_wait3A_19] : memref<8192x32xf32, #tpu.memory_space<hbm>> -> memref<8192x32xf32, #tpu.memory_space<hbm>>
    tpu.wait_indirect_dma semaphore(%arg7 : memref<!tpu.dma_semaphore, #tpu.memory_space<semaphore_mem>>) src(%dma_wait3A_20 : memref<8192x32xf32, #tpu.memory_space<hbm>>) dst(%dma_wait3A_14 : memref<128x32xf32, #tpu.memory_space<vmem>>)
    %dma_start3A_21 = arith.constant 1 : i32
    %dma_start3A_22 = arith.constant 128 : i32
    %dma_start3A_23 = arith.constant 0 : i32
    %dma_start3A_24 = tpu.memref_slice %arg6[%dma_start3A_22, %dma_start3A_23] : memref<512x32xf32, #tpu.memory_space<vmem>> -> memref<128x32xf32, #tpu.memory_space<vmem>>
    %dma_start3A_25 = arith.constant 0 : i32
    %dma_start3A_26 = tpu.memref_slice %arg5[%dma_start3A_21, %dma_start3A_25] : memref<4x128xi32, #tpu.memory_space<vmem>> -> memref<1x128xi32, #tpu.memory_space<vmem>>
    %dma_start3A_27 = tpu.memref_squeeze %dma_start3A_26 : memref<1x128xi32, #tpu.memory_space<vmem>> -> memref<128xi32, #tpu.memory_space<vmem>>
    %dma_start3A_28 = arith.constant 0 : i32
    %dma_start3A_29 = arith.constant 0 : i32
    %dma_start3A_30 = tpu.memref_slice %arg2[%dma_start3A_28, %dma_start3A_29] : memref<8192x32xf32, #tpu.memory_space<hbm>> -> memref<8192x32xf32, #tpu.memory_space<hbm>>
    tpu.enqueue_indirect_dma source(%dma_start3A_30 : memref<8192x32xf32, #tpu.memory_space<hbm>>) target(%dma_start3A_24 : memref<128x32xf32, #tpu.memory_space<vmem>>) offsets(%dma_start3A_27 : memref<128xi32, #tpu.memory_space<vmem>>) semaphore(%arg7 : memref<!tpu.dma_semaphore, #tpu.memory_space<semaphore_mem>>)
    %dma_wait3A_31 = arith.constant 1 : i32
    %dma_wait3A_32 = arith.constant 128 : i32
    %dma_wait3A_33 = arith.constant 0 : i32
    %dma_wait3A_34 = tpu.memref_slice %arg6[%dma_wait3A_32, %dma_wait3A_33] : memref<512x32xf32, #tpu.memory_space<vmem>> -> memref<128x32xf32, #tpu.memory_space<vmem>>
    %dma_wait3A_35 = arith.constant 0 : i32
    %dma_wait3A_36 = tpu.memref_slice %arg5[%dma_wait3A_31, %dma_wait3A_35] : memref<4x128xi32, #tpu.memory_space<vmem>> -> memref<1x128xi32, #tpu.memory_space<vmem>>
    %dma_wait3A_37 = tpu.memref_squeeze %dma_wait3A_36 : memref<1x128xi32, #tpu.memory_space<vmem>> -> memref<128xi32, #tpu.memory_space<vmem>>
    %dma_wait3A_38 = arith.constant 0 : i32
    %dma_wait3A_39 = arith.constant 0 : i32
    %dma_wait3A_40 = tpu.memref_slice %arg2[%dma_wait3A_38, %dma_wait3A_39] : memref<8192x32xf32, #tpu.memory_space<hbm>> -> memref<8192x32xf32, #tpu.memory_space<hbm>>
    tpu.wait_indirect_dma semaphore(%arg7 : memref<!tpu.dma_semaphore, #tpu.memory_space<semaphore_mem>>) src(%dma_wait3A_40 : memref<8192x32xf32, #tpu.memory_space<hbm>>) dst(%dma_wait3A_34 : memref<128x32xf32, #tpu.memory_space<vmem>>)
    %dma_start3A_41 = arith.constant 2 : i32
    %dma_start3A_42 = arith.constant 256 : i32
    %dma_start3A_43 = arith.constant 0 : i32
    %dma_start3A_44 = tpu.memref_slice %arg6[%dma_start3A_42, %dma_start3A_43] : memref<512x32xf32, #tpu.memory_space<vmem>> -> memref<128x32xf32, #tpu.memory_space<vmem>>
    %dma_start3A_45 = arith.constant 0 : i32
    %dma_start3A_46 = tpu.memref_slice %arg5[%dma_start3A_41, %dma_start3A_45] : memref<4x128xi32, #tpu.memory_space<vmem>> -> memref<1x128xi32, #tpu.memory_space<vmem>>
    %dma_start3A_47 = tpu.memref_squeeze %dma_start3A_46 : memref<1x128xi32, #tpu.memory_space<vmem>> -> memref<128xi32, #tpu.memory_space<vmem>>
    %dma_start3A_48 = arith.constant 0 : i32
    %dma_start3A_49 = arith.constant 0 : i32
    %dma_start3A_50 = tpu.memref_slice %arg2[%dma_start3A_48, %dma_start3A_49] : memref<8192x32xf32, #tpu.memory_space<hbm>> -> memref<8192x32xf32, #tpu.memory_space<hbm>>
    tpu.enqueue_indirect_dma source(%dma_start3A_50 : memref<8192x32xf32, #tpu.memory_space<hbm>>) target(%dma_start3A_44 : memref<128x32xf32, #tpu.memory_space<vmem>>) offsets(%dma_start3A_47 : memref<128xi32, #tpu.memory_space<vmem>>) semaphore(%arg7 : memref<!tpu.dma_semaphore, #tpu.memory_space<semaphore_mem>>)
    %dma_wait3A_51 = arith.constant 2 : i32
    %dma_wait3A_52 = arith.constant 256 : i32
    %dma_wait3A_53 = arith.constant 0 : i32
    %dma_wait3A_54 = tpu.memref_slice %arg6[%dma_wait3A_52, %dma_wait3A_53] : memref<512x32xf32, #tpu.memory_space<vmem>> -> memref<128x32xf32, #tpu.memory_space<vmem>>
    %dma_wait3A_55 = arith.constant 0 : i32
    %dma_wait3A_56 = tpu.memref_slice %arg5[%dma_wait3A_51, %dma_wait3A_55] : memref<4x128xi32, #tpu.memory_space<vmem>> -> memref<1x128xi32, #tpu.memory_space<vmem>>
    %dma_wait3A_57 = tpu.memref_squeeze %dma_wait3A_56 : memref<1x128xi32, #tpu.memory_space<vmem>> -> memref<128xi32, #tpu.memory_space<vmem>>
    %dma_wait3A_58 = arith.constant 0 : i32
    %dma_wait3A_59 = arith.constant 0 : i32
    %dma_wait3A_60 = tpu.memref_slice %arg2[%dma_wait3A_58, %dma_wait3A_59] : memref<8192x32xf32, #tpu.memory_space<hbm>> -> memref<8192x32xf32, #tpu.memory_space<hbm>>
    tpu.wait_indirect_dma semaphore(%arg7 : memref<!tpu.dma_semaphore, #tpu.memory_space<semaphore_mem>>) src(%dma_wait3A_60 : memref<8192x32xf32, #tpu.memory_space<hbm>>) dst(%dma_wait3A_54 : memref<128x32xf32, #tpu.memory_space<vmem>>)
    %dma_start3A_61 = arith.constant 3 : i32
    %dma_start3A_62 = arith.constant 384 : i32
    %dma_start3A_63 = arith.constant 0 : i32
    %dma_start3A_64 = tpu.memref_slice %arg6[%dma_start3A_62, %dma_start3A_63] : memref<512x32xf32, #tpu.memory_space<vmem>> -> memref<128x32xf32, #tpu.memory_space<vmem>>
    %dma_start3A_65 = arith.constant 0 : i32
    %dma_start3A_66 = tpu.memref_slice %arg5[%dma_start3A_61, %dma_start3A_65] : memref<4x128xi32, #tpu.memory_space<vmem>> -> memref<1x128xi32, #tpu.memory_space<vmem>>
    %dma_start3A_67 = tpu.memref_squeeze %dma_start3A_66 : memref<1x128xi32, #tpu.memory_space<vmem>> -> memref<128xi32, #tpu.memory_space<vmem>>
    %dma_start3A_68 = arith.constant 0 : i32
    %dma_start3A_69 = arith.constant 0 : i32
    %dma_start3A_70 = tpu.memref_slice %arg2[%dma_start3A_68, %dma_start3A_69] : memref<8192x32xf32, #tpu.memory_space<hbm>> -> memref<8192x32xf32, #tpu.memory_space<hbm>>
    tpu.enqueue_indirect_dma source(%dma_start3A_70 : memref<8192x32xf32, #tpu.memory_space<hbm>>) target(%dma_start3A_64 : memref<128x32xf32, #tpu.memory_space<vmem>>) offsets(%dma_start3A_67 : memref<128xi32, #tpu.memory_space<vmem>>) semaphore(%arg7 : memref<!tpu.dma_semaphore, #tpu.memory_space<semaphore_mem>>)
    %dma_wait3A_71 = arith.constant 3 : i32
    %dma_wait3A_72 = arith.constant 384 : i32
    %dma_wait3A_73 = arith.constant 0 : i32
    %dma_wait3A_74 = tpu.memref_slice %arg6[%dma_wait3A_72, %dma_wait3A_73] : memref<512x32xf32, #tpu.memory_space<vmem>> -> memref<128x32xf32, #tpu.memory_space<vmem>>
    %dma_wait3A_75 = arith.constant 0 : i32
    %dma_wait3A_76 = tpu.memref_slice %arg5[%dma_wait3A_71, %dma_wait3A_75] : memref<4x128xi32, #tpu.memory_space<vmem>> -> memref<1x128xi32, #tpu.memory_space<vmem>>
    %dma_wait3A_77 = tpu.memref_squeeze %dma_wait3A_76 : memref<1x128xi32, #tpu.memory_space<vmem>> -> memref<128xi32, #tpu.memory_space<vmem>>
    %dma_wait3A_78 = arith.constant 0 : i32
    %dma_wait3A_79 = arith.constant 0 : i32
    %dma_wait3A_80 = tpu.memref_slice %arg2[%dma_wait3A_78, %dma_wait3A_79] : memref<8192x32xf32, #tpu.memory_space<hbm>> -> memref<8192x32xf32, #tpu.memory_space<hbm>>
    tpu.wait_indirect_dma semaphore(%arg7 : memref<!tpu.dma_semaphore, #tpu.memory_space<semaphore_mem>>) src(%dma_wait3A_80 : memref<8192x32xf32, #tpu.memory_space<hbm>>) dst(%dma_wait3A_74 : memref<128x32xf32, #tpu.memory_space<vmem>>)
    "tpu.region"() ({
      %run_scoped3A = tpu.sem_alloc : memref<!tpu.dma_semaphore, #tpu.memory_space<semaphore_mem>>
      %dma_start3A_81 = arith.constant 0 : i32
      %dma_start3A_82 = tpu.memref_slice %arg4[%mul3A_2, %dma_start3A_81] : memref<16384x32xf32, #tpu.memory_space<hbm>> -> memref<512x32xf32, #tpu.memory_space<hbm>>
      %dma_start3A_83 = arith.constant 0 : i32
      %dma_start3A_84 = tpu.memref_slice %arg4[%mul3A_2, %dma_start3A_83] : memref<16384x32xf32, #tpu.memory_space<hbm>> -> memref<512x32xf32, #tpu.memory_space<hbm>>
      tpu.enqueue_dma source(%arg6 : memref<512x32xf32, #tpu.memory_space<vmem>>) target(%dma_start3A_84 : memref<512x32xf32, #tpu.memory_space<hbm>>) target_semaphore(%run_scoped3A : memref<!tpu.dma_semaphore, #tpu.memory_space<semaphore_mem>>)
      %dma_wait3A_85 = arith.constant 0 : i32
      %dma_wait3A_86 = tpu.memref_slice %arg4[%mul3A_2, %dma_wait3A_85] : memref<16384x32xf32, #tpu.memory_space<hbm>> -> memref<512x32xf32, #tpu.memory_space<hbm>>
      %dma_wait3A_87 = arith.constant 0 : i32
      %dma_wait3A_88 = tpu.memref_slice %arg4[%mul3A_2, %dma_wait3A_87] : memref<16384x32xf32, #tpu.memory_space<hbm>> -> memref<512x32xf32, #tpu.memory_space<hbm>>
      tpu.wait_dma2 semaphore(%run_scoped3A : memref<!tpu.dma_semaphore, #tpu.memory_space<semaphore_mem>>) src(%arg6 : memref<512x32xf32, #tpu.memory_space<vmem>>) dst(%dma_wait3A_88 : memref<512x32xf32, #tpu.memory_space<hbm>>)
      tpu.yield
    }) : () -> ()
    return
  }
}

module attributes {stable_mosaic.version = 14 : i64} {
  func.func @_vq_tc_body(%arg0: i32, %arg1: memref<512x32xf32, #tpu.memory_space<vmem>>, %arg2: memref<8192x32xf32, #tpu.memory_space<vmem>>, %arg3: memref<1x8192xf32, #tpu.memory_space<vmem>>, %arg4: memref<512x1xi32, #tpu.memory_space<vmem>>, %arg5: memref<1x1xf32, #tpu.memory_space<vmem>>) attributes {dimension_semantics = [#tpu.dimension_semantics<arbitrary>], iteration_bounds = array<i64: 32>, scalar_prefetch = 0 : i64, scratch_operands = 0 : i64, tpu.core_type = #tpu.core_type<tc>, window_params = [{transform_indices = @transform_0, window_bounds = array<i64: 512, 32>}, {pipeline_mode = #tpu.pipeline_mode<synchronous>, transform_indices = @transform_1, window_bounds = array<i64: 8192, 32>}, {pipeline_mode = #tpu.pipeline_mode<synchronous>, transform_indices = @transform_2, window_bounds = array<i64: 1, 8192>}, {transform_indices = @transform_3, window_bounds = array<i64: 512, 1>}, {pipeline_mode = #tpu.pipeline_mode<synchronous>, transform_indices = @transform_4, window_bounds = array<i64: 1, 1>}]} {
    %get3A = arith.constant 0 : index
    %get3A_0 = arith.constant 0 : index
    %get3A_1 = vector.load %arg1[%get3A, %get3A_0] : memref<512x32xf32, #tpu.memory_space<vmem>>, vector<512x32xf32>
    %mul3A = arith.mulf %get3A_1, %get3A_1 : vector<512x32xf32>
    %reduce_sum3A = arith.constant dense<0.000000e+00> : vector<512xf32>
    %reduce_sum3A_2 = vector.multi_reduction <add>, %mul3A, %reduce_sum3A [1] : vector<512x32xf32> to vector<512xf32>
    %broadcast_in_dim3A = vector.shape_cast %reduce_sum3A_2 : vector<512xf32> to vector<512x1xf32>
    %broadcast_in_dim3A_3 = arith.constant 0x7F800000 : f32
    %broadcast_in_dim3A_4 = vector.broadcast %broadcast_in_dim3A_3 : f32 to vector<512x1xf32>
    %broadcast_in_dim3A_5 = arith.constant 0.000000e+00 : f32
    %broadcast_in_dim3A_6 = vector.broadcast %broadcast_in_dim3A_5 : f32 to vector<512x1xf32>
    %broadcast_in_dim3A_7 = arith.constant 0 : i32
    %broadcast_in_dim3A_8 = vector.broadcast %broadcast_in_dim3A_7 : i32 to vector<512x1xi32>
    %get3A_9 = arith.constant 0 : index
    %get3A_10 = arith.constant 0 : index
    %get3A_11 = vector.load %arg2[%get3A_9, %get3A_10] : memref<8192x32xf32, #tpu.memory_space<vmem>>, vector<4096x32xf32>
    %dot_general3A = arith.constant dense<0.000000e+00> : vector<512x4096xf32>
    %dot_general3A_12 = tpu.matmul %get3A_1, %get3A_11, %dot_general3A {dimension_numbers = #tpu.dot_dimension_numbers<[1], [1], [0], [0], [0, 0, 1, 0], [], []>, transpose_lhs_hint = false} : vector<512x32xf32>, vector<4096x32xf32>, vector<512x4096xf32> -> vector<512x4096xf32>
    %get3A_13 = arith.constant 0 : index
    %get3A_14 = arith.constant 0 : index
    %get3A_15 = vector.load %arg3[%get3A_13, %get3A_14] : memref<1x8192xf32, #tpu.memory_space<vmem>>, vector<1x4096xf32>
    %add3A = vector.broadcast %broadcast_in_dim3A : vector<512x1xf32> to vector<512x4096xf32>
    %add3A_16 = vector.broadcast %get3A_15 : vector<1x4096xf32> to vector<512x4096xf32>
    %add3A_17 = arith.addf %add3A, %add3A_16 : vector<512x4096xf32>
    %mul3A_18 = arith.constant 2.000000e+00 : f32
    %mul3A_19 = vector.broadcast %mul3A_18 : f32 to vector<512x4096xf32>
    %mul3A_20 = arith.mulf %mul3A_19, %dot_general3A_12 : vector<512x4096xf32>
    %sub3A = arith.subf %add3A_17, %mul3A_20 : vector<512x4096xf32>
    %reduce_min3A = arith.constant dense<0x7F800000> : vector<512xf32>
    %reduce_min3A_21 = vector.multi_reduction <minimumf>, %sub3A, %reduce_min3A [1] : vector<512x4096xf32> to vector<512xf32>
    %broadcast_in_dim3A_22 = vector.shape_cast %reduce_min3A_21 : vector<512xf32> to vector<512x1xf32>
    %iota3A = tpu.iota {dimensions = array<i32: 1>} : vector<512x4096xi32>
    %eq3A = vector.broadcast %broadcast_in_dim3A_22 : vector<512x1xf32> to vector<512x4096xf32>
    %eq3A_23 = arith.cmpf oeq, %sub3A, %eq3A : vector<512x4096xf32>
    %jit3A = arith.constant 4096 : i32
    %broadcast_in_dim3A_24 = vector.broadcast %jit3A : i32 to vector<512x4096xi32>
    %select_n3A = arith.select %eq3A_23, %iota3A, %broadcast_in_dim3A_24 : vector<512x4096xi1>, vector<512x4096xi32>
    %reduce_min3A_25 = arith.constant dense<2147483647> : vector<512xi32>
    %reduce_min3A_26 = vector.multi_reduction <minsi>, %select_n3A, %reduce_min3A_25 [1] : vector<512x4096xi32> to vector<512xi32>
    %broadcast_in_dim3A_27 = vector.shape_cast %reduce_min3A_26 : vector<512xi32> to vector<512x1xi32>
    %add3A_28 = arith.constant 0 : i32
    %add3A_29 = vector.broadcast %add3A_28 : i32 to vector<512x1xi32>
    %add3A_30 = arith.addi %broadcast_in_dim3A_27, %add3A_29 : vector<512x1xi32>
    %lt3A = arith.cmpf olt, %broadcast_in_dim3A_22, %broadcast_in_dim3A_4 : vector<512x1xf32>
    %select_n3A_31 = arith.select %lt3A, %broadcast_in_dim3A_22, %broadcast_in_dim3A_4 : vector<512x1xi1>, vector<512x1xf32>
    %convert_element_type3A = arith.truncf %select_n3A_31 : vector<512x1xf32> to vector<512x1xbf16>
    %convert_element_type3A_32 = arith.extf %convert_element_type3A : vector<512x1xbf16> to vector<512x1xf32>
    %select_n3A_33 = arith.select %lt3A, %broadcast_in_dim3A_22, %broadcast_in_dim3A_6 : vector<512x1xi1>, vector<512x1xf32>
    %select_n3A_34 = arith.select %lt3A, %add3A_30, %broadcast_in_dim3A_8 : vector<512x1xi1>, vector<512x1xi32>
    %get3A_35 = arith.constant 4096 : index
    %get3A_36 = arith.constant 0 : index
    %get3A_37 = vector.load %arg2[%get3A_35, %get3A_36] : memref<8192x32xf32, #tpu.memory_space<vmem>>, vector<4096x32xf32>
    %dot_general3A_38 = arith.constant dense<0.000000e+00> : vector<512x4096xf32>
    %dot_general3A_39 = tpu.matmul %get3A_1, %get3A_37, %dot_general3A_38 {dimension_numbers = #tpu.dot_dimension_numbers<[1], [1], [0], [0], [0, 0, 1, 0], [], []>, transpose_lhs_hint = false} : vector<512x32xf32>, vector<4096x32xf32>, vector<512x4096xf32> -> vector<512x4096xf32>
    %get3A_40 = arith.constant 0 : index
    %get3A_41 = arith.constant 4096 : index
    %get3A_42 = vector.load %arg3[%get3A_40, %get3A_41] : memref<1x8192xf32, #tpu.memory_space<vmem>>, vector<1x4096xf32>
    %add3A_43 = vector.broadcast %broadcast_in_dim3A : vector<512x1xf32> to vector<512x4096xf32>
    %add3A_44 = vector.broadcast %get3A_42 : vector<1x4096xf32> to vector<512x4096xf32>
    %add3A_45 = arith.addf %add3A_43, %add3A_44 : vector<512x4096xf32>
    %mul3A_46 = arith.constant 2.000000e+00 : f32
    %mul3A_47 = vector.broadcast %mul3A_46 : f32 to vector<512x4096xf32>
    %mul3A_48 = arith.mulf %mul3A_47, %dot_general3A_39 : vector<512x4096xf32>
    %sub3A_49 = arith.subf %add3A_45, %mul3A_48 : vector<512x4096xf32>
    %reduce_min3A_50 = arith.constant dense<0x7F800000> : vector<512xf32>
    %reduce_min3A_51 = vector.multi_reduction <minimumf>, %sub3A_49, %reduce_min3A_50 [1] : vector<512x4096xf32> to vector<512xf32>
    %broadcast_in_dim3A_52 = vector.shape_cast %reduce_min3A_51 : vector<512xf32> to vector<512x1xf32>
    %iota3A_53 = tpu.iota {dimensions = array<i32: 1>} : vector<512x4096xi32>
    %eq3A_54 = vector.broadcast %broadcast_in_dim3A_52 : vector<512x1xf32> to vector<512x4096xf32>
    %eq3A_55 = arith.cmpf oeq, %sub3A_49, %eq3A_54 : vector<512x4096xf32>
    %jit3A_56 = arith.constant 4096 : i32
    %broadcast_in_dim3A_57 = vector.broadcast %jit3A_56 : i32 to vector<512x4096xi32>
    %select_n3A_58 = arith.select %eq3A_55, %iota3A_53, %broadcast_in_dim3A_57 : vector<512x4096xi1>, vector<512x4096xi32>
    %reduce_min3A_59 = arith.constant dense<2147483647> : vector<512xi32>
    %reduce_min3A_60 = vector.multi_reduction <minsi>, %select_n3A_58, %reduce_min3A_59 [1] : vector<512x4096xi32> to vector<512xi32>
    %broadcast_in_dim3A_61 = vector.shape_cast %reduce_min3A_60 : vector<512xi32> to vector<512x1xi32>
    %add3A_62 = arith.constant 4096 : i32
    %add3A_63 = vector.broadcast %add3A_62 : i32 to vector<512x1xi32>
    %add3A_64 = arith.addi %broadcast_in_dim3A_61, %add3A_63 : vector<512x1xi32>
    %lt3A_65 = arith.cmpf olt, %broadcast_in_dim3A_52, %convert_element_type3A_32 : vector<512x1xf32>
    %select_n3A_66 = arith.select %lt3A_65, %broadcast_in_dim3A_52, %select_n3A_33 : vector<512x1xi1>, vector<512x1xf32>
    %select_n3A_67 = arith.select %lt3A_65, %add3A_64, %select_n3A_34 : vector<512x1xi1>, vector<512x1xi32>
    %swap3A = arith.constant 0 : index
    %swap3A_68 = arith.constant 0 : index
    %swap3A_69 = vector.load %arg4[%swap3A, %swap3A_68] : memref<512x1xi32, #tpu.memory_space<vmem>>, vector<512x1xi32>
    tpu.vector_store %arg4[%swap3A, %swap3A_68], %select_n3A_67 {strides = array<i32>} : memref<512x1xi32, #tpu.memory_space<vmem>>, vector<512x1xi32>,
    %eq3A_70 = arith.constant 0 : i32
    %eq3A_71 = arith.cmpi eq, %arg0, %eq3A_70 : i32
    %convert_element_type3A_72 = arith.extui %eq3A_71 : i1 to i32
    %cond3A = arith.constant 0 : i32
    %cond3A_73 = arith.cmpi ne, %convert_element_type3A_72, %cond3A : i32
    scf.if %cond3A_73 {
      %broadcast_in_dim3A_87 = arith.constant 0.000000e+00 : f32
      %broadcast_in_dim3A_88 = vector.broadcast %broadcast_in_dim3A_87 : f32 to vector<1x1xf32>
      %swap3A_89 = arith.constant 0 : index
      %swap3A_90 = arith.constant 0 : index
      %swap3A_91 = vector.load %arg5[%swap3A_89, %swap3A_90] : memref<1x1xf32, #tpu.memory_space<vmem>>, vector<1x1xf32>
      tpu.vector_store %arg5[%swap3A_89, %swap3A_90], %broadcast_in_dim3A_88 {strides = array<i32>} : memref<1x1xf32, #tpu.memory_space<vmem>>, vector<1x1xf32>,
    } else {
    }
    %get3A_74 = arith.constant 0 : index
    %get3A_75 = arith.constant 0 : index
    %get3A_76 = vector.load %arg5[%get3A_74, %get3A_75] : memref<1x1xf32, #tpu.memory_space<vmem>>, vector<1x1xf32>
    %reduce_sum3A_77 = vector.shape_cast %select_n3A_66 : vector<512x1xf32> to vector<1x512x1xf32>
    %reduce_sum3A_78 = arith.constant dense<0.000000e+00> : vector<1xf32>
    %reduce_sum3A_79 = vector.multi_reduction <add>, %reduce_sum3A_77, %reduce_sum3A_78 [1, 2] : vector<1x512x1xf32> to vector<1xf32>
    %reduce_sum3A_80 = vector.shape_cast %reduce_sum3A_79 : vector<1xf32> to vector<1x1x1xf32>
    %reduce_sum3A_81 = vector.extract %reduce_sum3A_80[0, 0, 0] : f32 from vector<1x1x1xf32>
    %broadcast_in_dim3A_82 = vector.broadcast %reduce_sum3A_81 : f32 to vector<1x1xf32>
    %add3A_83 = arith.addf %get3A_76, %broadcast_in_dim3A_82 : vector<1x1xf32>
    %swap3A_84 = arith.constant 0 : index
    %swap3A_85 = arith.constant 0 : index
    %swap3A_86 = vector.load %arg5[%swap3A_84, %swap3A_85] : memref<1x1xf32, #tpu.memory_space<vmem>>, vector<1x1xf32>
    tpu.vector_store %arg5[%swap3A_84, %swap3A_85], %add3A_83 {strides = array<i32>} : memref<1x1xf32, #tpu.memory_space<vmem>>, vector<1x1xf32>,
    return
  }
  func.func @transform_0(%arg0: i32) -> (i32, i32) {
    %c0_i32 = arith.constant 0 : i32
    %c0_i32_0 = arith.constant 0 : i32
    return %arg0, %c0_i32 : i32, i32
  }
  func.func @transform_1(%arg0: i32) -> (i32, i32) {
    %c0_i32 = arith.constant 0 : i32
    %c0_i32_0 = arith.constant 0 : i32
    %c0_i32_1 = arith.constant 0 : i32
    return %c0_i32, %c0_i32_0 : i32, i32
  }
  func.func @transform_2(%arg0: i32) -> (i32, i32) {
    %c0_i32 = arith.constant 0 : i32
    %c0_i32_0 = arith.constant 0 : i32
    %c0_i32_1 = arith.constant 0 : i32
    return %c0_i32, %c0_i32_0 : i32, i32
  }
  func.func @transform_3(%arg0: i32) -> (i32, i32) {
    %c0_i32 = arith.constant 0 : i32
    %c0_i32_0 = arith.constant 0 : i32
    return %arg0, %c0_i32 : i32, i32
  }
  func.func @transform_4(%arg0: i32) -> (i32, i32) {
    %c0_i32 = arith.constant 0 : i32
    %c0_i32_0 = arith.constant 0 : i32
    %c0_i32_1 = arith.constant 0 : i32
    return %c0_i32, %c0_i32_0 : i32, i32
  }
}

</mosaic_0001>

<sc_bundles>
// kernel: kernel.4.cloned.1.call-start
scs
__scs_entry_jumppad:
0x0: {  	(pc) =	sbr.rel $0x88, $3  }
0x1: {  	(tag) =	ssettag $0x0;
	lr =	simm.s32 $0x1  }
0x2: {  	[smem:$0x3F9F] =	sst lr;
	_ =	strace $0xD0000000  }
0x3: {  	_ = 	snop  }
0x4: {  	_ = 	snop  }
0x5: {  	_ = 	snop  }
0x6: {  	_ = 	snop  }
0x7: {  	_ = 	snop  }
__scs_overlays_trampoline_lowered:
0x8: {  	[smem:$0x3FAE] =	sst s0  }
0x9: {  	[smem:$0x3FAF] =	sst s1  }
0xa: {  	[smem:$0x3FB0] =	sst s2  }
0xb: {  	[smem:$0x3FB1] =	sst s3  }
0xc: {  	[smem:$0x3FB2] =	sst s4  }
0xd: {  	[smem:$0x3FB3] =	sst s5  }
0xe: {  	[smem:$0x3FB4] =	sst s6  }
0xf: {  	[smem:$0x3FB5] =	sst s7  }
0x10: {  	[smem:$0x3FB6] =	sst s8  }
0x11: {  	[smem:$0x3FB7] =	sst s9;
	s0 =	simm.s32 @!p0 $0x0  }
0x12: {  	s1 =	sld [smem:$0x3F9D];
	s0 =	simm.s32 @p0 $0x1  }
0x13: {  	[smem:$0x3FB8] =	sst s0;
	s0 =	simm.s32 @!p1 $0x0  }
0x14: {  	s2 =	sld [smem:$0x3F9C];
	s0 =	simm.s32 @p1 $0x1  }
0x15: {  	[smem:$0x3FB9] =	sst s0;
	s0 =	simm.s32 @!p2 $0x0  }
0x16: {  	s3 =	sld [smem:$0x3FDB];
	s0 =	simm.s32 @p2 $0x1  }
0x17: {  	s4 =	simm.s32 $0x1BF5;
	[smem:$0x3FBB] =	sst s0  }
0x18: {  	s0 =	sld [smem:$0x3F9E];
	_ =	swait.ge [sflag:s4], $0x0  }
0x19: {  	s7 =	sld [smem:$0x3F9F]  }
0x1a: {  	s8 =	sadd.s32 $0xFFFFE003, lr  }
0x1b: {  	s9 =	sadd.s32 $0xFFFFFEF7, lr;
	s5 =	simm.s32 $0xFFFFFFFF;
	p2 =	slt.u32 s8, $0xFFFFF086  }
0x1c: {  	p1 =	slt.u32 s9, $0xF7A;
	s5 =	simm.s32 @!p2 $0x0  }
0x1d: {  	s5 =	simm.s32 @p1 $0x1;
	p0 =	seq.s32 s7, s2  }
0x1e: {  	s7 =	smul.u32 @!p0 $0xF7A, s2;
	p2 =	seq.s32 @!p0 s5, $0x0  }
0x1f: {  	s9 =	smul.u32 $0xF7A, s1;
	s8 =	simm.s32 @!p0 $0x1BF5;
	p2 =	por !p2, p0  }
0x20: {  	[sflag:s8] =	ssyncset.s32 @!p0 $0xFFFFF086;
	s6 =	sadd.s32 @!p0 s3, s7;
	s7 =	simm.s32 @!p0 $0x108  }
0x21: {  	s3 =	sadd.s32 s3, s9;
	s6 =	sadd.s32 @!p0 $0x88, s6;
	s7 =	simm.s32 @p2 $0x1082  }
0x22: {  	[simem:s7], [sflag:s8] =	dma.local @!p0 [hbm:s6], $0xF7A  }
0x23: {  	s9 =	sor.u32 $0xD0000000, s2;
	s6 =	simm.s32 $0x108;
	_ =	swait.ge @!p0 [sflag:s8], $0x0  }
0x24: {  	s3 =	sadd.s32 $0x88, s3;
	s6 =	simm.s32 @!p1 $0x1082;
	[sflag:s4] =	ssyncset.s32 $0xFFFFF086  }
0x25: {  	[simem:s6], [sflag:s4] =	dma.local [hbm:s3], $0xF7A  }
0x26: {  	[smem:$0x3F9F] =	sst s1;
	(tag) =	ssettag s2;
	_ =	strace s9  }
0x27: {  	s1 =	sld [smem:$0x3FAF]  }
0x28: {  	s2 =	sld [smem:$0x3FB0]  }
0x29: {  	s4 =	sld [smem:$0x3FB2]  }
0x2a: {  	p0 =	seq.s32 s5, $0x0;
	s5 =	sld [smem:$0x3FB3]  }
0x2b: {  	s6 =	sld [smem:$0x3FB4]  }
0x2c: {  	s7 =	sld [smem:$0x3FB5]  }
0x2d: {  	s3 =	simm.s32 $0x108;
	s8 =	sld [smem:$0x3FB6]  }
0x2e: {  	s3 =	simm.s32 @!p0 $0x1082;
	s9 =	sld [smem:$0x3FB7]  }
0x2f: {  	lr =	sadd.s32 s0, s3;
	s0 =	sld [smem:$0x3FAE]  }
0x30: {  	s3 =	sld [smem:$0x3FB1]  }
0x31: {  	[smem:$0x3FBA] =	sst s10  }
0x32: {  	s10 =	sld [smem:$0x3FB8];
	_ =	sdelay $0x3  }
0x33: {  	p0 =	seq.s32 s10, $0x1;
	s10 =	sld [smem:$0x3FBA];
	_ =	sdelay $0x3  }
0x34: {  	[smem:$0x3FBA] =	sst s10  }
0x35: {  	s10 =	sld [smem:$0x3FB9];
	_ =	sdelay $0x3  }
0x36: {  	p1 =	seq.s32 s10, $0x1;
	s10 =	sld [smem:$0x3FBA];
	_ =	sdelay $0x3  }
0x37: {  	[smem:$0x3FBA] =	sst s10  }
0x38: {  	s10 =	sld [smem:$0x3FBB]  }
0x39: {  	_ = 	snop;
	(pc) =	sbr.ind lr, $3  }
0x3a: {  	_ = 	snop  }
0x3b: {  	_ = 	snop  }
0x3c: {  	p2 =	seq.s32 s10, $0x1;
	s10 =	sld [smem:$0x3FBA]  }
0x3d: {  	_ =	shalt  }
0x3e: {  	_ =	shalt  }
0x3f: {  	_ =	shalt  }
0x40: {  	_ =	shalt  }
0x41: {  	_ =	shalt  }
0x42: {  	_ =	shalt  }
0x43: {  	_ =	shalt  }
0x44: {  	_ =	shalt  }
0x45: {  	_ =	shalt  }
0x46: {  	_ =	shalt  }
0x47: {  	_ =	shalt  }
0x48: {  	_ =	shalt  }
0x49: {  	_ =	shalt  }
0x4a: {  	_ =	shalt  }
0x4b: {  	_ =	shalt  }
0x4c: {  	_ =	shalt  }
0x4d: {  	_ =	shalt  }
0x4e: {  	_ =	shalt  }
0x4f: {  	_ =	shalt  }
0x50: {  	_ =	shalt  }
0x51: {  	_ =	shalt  }
0x52: {  	_ =	shalt  }
0x53: {  	_ =	shalt  }
0x54: {  	_ =	shalt  }
0x55: {  	_ =	shalt  }
0x56: {  	_ =	shalt  }
0x57: {  	_ =	shalt  }
0x58: {  	_ =	shalt  }
0x59: {  	_ =	shalt  }
0x5a: {  	_ =	shalt  }
0x5b: {  	_ =	shalt  }
0x5c: {  	_ =	shalt  }
0x5d: {  	_ =	shalt  }
0x5e: {  	_ =	shalt  }
0x5f: {  	_ =	shalt  }
0x60: {  	_ =	shalt  }
0x61: {  	_ =	shalt  }
0x62: {  	_ =	shalt  }
0x63: {  	_ =	shalt  }
0x64: {  	_ =	shalt  }
0x65: {  	_ =	shalt  }
0x66: {  	_ =	shalt  }
0x67: {  	_ =	shalt  }
0x68: {  	_ =	shalt  }
0x69: {  	_ =	shalt  }
0x6a: {  	_ =	shalt  }
0x6b: {  	_ =	shalt  }
0x6c: {  	_ =	shalt  }
0x6d: {  	_ =	shalt  }
0x6e: {  	_ =	shalt  }
0x6f: {  	_ =	shalt  }
0x70: {  	_ =	shalt  }
0x71: {  	_ =	shalt  }
0x72: {  	_ =	shalt  }
0x73: {  	_ =	shalt  }
0x74: {  	_ =	shalt  }
0x75: {  	_ =	shalt  }
0x76: {  	_ =	shalt  }
0x77: {  	_ =	shalt  }
0x78: {  	_ =	shalt  }
0x79: {  	_ =	shalt  }
0x7a: {  	_ =	shalt  }
0x7b: {  	_ =	shalt  }
0x7c: {  	_ =	shalt  }
0x7d: {  	_ =	shalt  }
0x7e: {  	_ =	shalt  }
0x7f: {  	_ =	shalt  }
0x80: {  	_ =	shalt  }
0x81: {  	_ =	shalt  }
0x82: {  	_ =	shalt  }
0x83: {  	_ =	shalt  }
0x84: {  	_ =	shalt  }
0x85: {  	_ =	shalt  }
0x86: {  	_ =	shalt  }
0x87: {  	_ =	shalt  }
.Lfunc_end0:
.L_simem_size_0:
called_computation_lowered:
.L_overlay_start_0:
0x88: {  	s2 =	sld [smem:$0x3FD9]  }
0x89: {  	s3 =	sld [smem:$0x3FFE];
	_ =	sdelay $0x1  }
0x8a: {  	s1 =	srdreg.scid  }
0x8b: {  	s0 =	sand.u32 $0x1, s1  }
0x8c: {  	s14 =	sshll.u32 s0, $0xA;
	s2 =	sadd.s32 s3, s2  }
0x8d: {  	s2 =	sadd.s32 s2, s14  }
0x8e: {  	[smem:$0x3FC6] =	sst s2  }
0x8f: {  	_ = 	snop  }
0x90: {  	s2 =	sld [smem:$0x3FD0];
	_ =	sdelay $0x2  }
0x91: {  	s15 =	simm.s32 $0xA;
	s4 =	simm.s32 $0x10  }
0x92: {  	[smem:s4], [sflag:s15] =	dma.local [hbm:s2], $0x1  }
0x93: {  	_ =	swait.eq [sflag:s15], $0x1  }
0x94: {  	[sflag:s15] =	ssyncset.done $0x0  }
0x95: {  	s16 =	sld [smem:$0x10];
	[sflag:s15] =	ssyncadd.s32 $0xFFFFFFFF  }
0x96: {  	s17 =	sld [smem:$0x12];
	(tm) =	ssettm $0x1  }
0x97: {  	s18 =	sld [smem:$0x3FFB];
	_ =	sdelay $0x3  }
0x98: {  	_ =	strace s18  }
0x99: {  	s4 =	sld [smem:$0x3FFC];
	_ =	sdelay $0x3  }
0x9a: {  	_ =	strace s4  }
0x9b: {  	s4 =	sld [smem:$0x3FFD];
	_ =	sdelay $0x3  }
0x9c: {  	_ =	strace s4  }
0x9d: {  	_ =	strace $0x8FFFFFFF  }
0x9e: {  	s19 =	sld [smem:$0x3FDB];
	_ =	sdelay $0x1  }
0x9f: {  	s5 =	simm.s32 $_scs_section_size  }
0xa0: {  	s6 =	simm.s32 $_size__tile_overlayer_lowered;
	s7 =	simm.s32 $_tile_overlayer_lowered  }
0xa1: {  	s22 =	simm.s32 $0x1BFF;
	s21 =	sshll.u32 s7, $0x1;
	s4 =	sadd.s32 s5, s19  }
0xa2: {  	s8 =	simm.s32 $0x0;
	s20 =	sshll.u32 s6, $0x1;
	s6 =	sadd.s32 s21, s4  }
0xa3: {  	[timem:s8], [sflag:s22] =	dma.local [hbm:s6], s20  }
0xa4: {  	_ =	swait.ge [sflag:s22], s20  }
0xa5: {  	s5 =	ssub.s32 $0x0, s20;
	[sflag:s22] =	ssyncset.done $0x0  }
0xa6: {  	[sflag:s22] =	ssyncadd.s32 s5;
	_ =	sdelay $0x1  }
0xa7: {  	s23 =	simm.s32 $0x1B8B  }
0xa8: {  	_ =	swait.ge [sflag:s23], $0x1  }
0xa9: {  	[sflag:s23] =	ssyncset.done $0x0  }
0xaa: {  	s25 =	simm.s32 $0x1B8E;
	s24 =	sld [smem:$0x3FFE];
	[sflag:s23] =	ssyncadd.s32 $0xFFFFFFFF  }
0xab: {  	s26 =	simm.s32 $execute0_lowered;
	[smem:$0x3FD2] =	sst s25  }
0xac: {  	s6 =	sshll.u32 s26, $0x1;
	_ =	strace $0x80000046;
	[dreg:$0x1] =	wrdreg $0xFFFFFFFF  }
0xad: {  	s28 =	simm.s32 $_size_execute0_lowered;
	s4 =	sadd.s32 s4, s6;
	[dreg:$0x0] =	wrdreg $0x0  }
0xae: {  	s6 =	sshll.u32 s28, $0x1;
	[dreg:$0x2] =	wrdreg s4  }
0xaf: {  	[dreg:$0x3] =	wrdreg s6  }
0xb0: {  	[dreg:$0x4] =	wrdreg $0xC0  }
0xb1: {  	_ =	task [dreg:s8], $0x5FFFF  }
0xb2: {  	[dreg:$0x1] =	wrdreg $0xFFFFFFFF  }
0xb3: {  	[dreg:$0x0] =	wrdreg $0x60  }
0xb4: {  	[dreg:$0x2] =	wrdreg s24  }
0xb5: {  	[dreg:$0x3] =	wrdreg s17  }
0xb6: {  	[dreg:$0x4] =	wrdreg s16  }
0xb7: {  	[dreg:$0x5] =	wrdreg $0x9  }
0xb8: {  	_ =	task.clear_ibuf [dreg:s8], $0x6FFFF;
	_ =	strace $0x90000046  }
0xb9: {  	s29 =	simm.s32 $0x9;
	_ =	strace $0x80000048  }
0xba: {  	_ =	swait.ge [sflag:s29], $0x1  }
0xbb: {  	[sflag:s29] =	ssyncadd.s32 $0xFFFFFFFF  }
0xbc: {  	_ =	strace $0x90000048  }
0xbd: {  	_ =	sfence  }
0xbe: {  	s30 =	sld [smem:$0x0];
	_ =	sdelay $0x2  }
0xbf: {  	s31 =	sshll.u32 s1, $0xD;
	s1 =	sshrl.u32 s1, $0x2  }
0xc0: {  	s3 =	sand.u32 $0x4000, s31;
	s1 =	sadd.s32 s1, s30  }
0xc1: {  	s0 =	sor.u32 s3, s0;
	s1 =	sshll.u32 s1, $0x11  }
0xc2: {  	s0 =	sor.u32 s1, s0  }
0xc3: {  	s0 =	sadd.s32 $0x8F2B, s0  }
0xc4: {  	[sflag:s0] =	ssyncadd.remote.s32 $0x1  }
0xc5: {  	_ =	sfence.sel $0xFFFF  }
0xc6: {  	[dreg:$0x0] =	wrdreg $0xFFFFFFFF;
	(pc) =	sbr.abs _section_cstart, $3  }
0xc7: {  	[dreg:$0x1] =	wrdreg $0xFFFFFFFF  }
0xc8: {  	_ =	task.clear_ibuf [dreg:s8], $0x2FFFF;
	_ =	strace $0x9FFFFFFF  }
0xc9: {  	(tm) =	ssettm $0x7FFFFFFF  }
tec
execute0_lowered:
.L_overlay_start_1:
0x0: {  	(tag) =	ssettag $0x1  }
0x1: {  	s1 =	rddreg [dreg:$0x0];
	s2 =	srdreg.scid  }
0x2: {  	s4 =	rddreg [dreg:$0x1];
	s0 =	stileid.u32;
	s12 =	sand.u32 $0x1, s2  }
0x3: {  	s14 =	rddreg [dreg:$0x2];
	s5 =	sshll.u32 s0, $0xA;
	s6 =	sshll.u32 s12, $0x9  }
0x4: {  	s3 =	simm.s32 $0x0;
	s2 =	rddreg [dreg:$0x3];
	s15 =	sor.u32 s6, s5  }
0x5: {  	[smem:$0x7FF] =	sst s3;
	s5 =	sshrl.u32 s15, $0x3  }
0x6: {  	_ =	strace $0x80000047;
	s5 =	sadd.s32 s4, s5;
	s4 =	simm.s32 $0x2  }
0x7: {  	[tilespmem:s3], [sflag:$0x2] =	stream.linear.gather [hbm4b:s5+s3], $0x200, $0x38;
	[tilespmem:$0x4200] =	vst v63  }
0x8: {  	_ =	swait.ge [sflag:s4], $0x200  }
0x9: {  	s7 =	simm.s32 $0x200;
	[sflag:s4] =	ssyncset.done $0x0  }
0xa: {  	s8 =	simm.s32 $0x1;
	s6 =	simm.s32 $0x80;
	[sflag:s4] =	ssyncadd.s32 $0xFFFFFE00  }
0xb: {  	[tilespmem:s7], [sflag:$0x1] =	stream.indirect.gather [hbm4b:s1+s6], $0x20, s3, s6, $0xb8;
	[tilespmem:$0x4200] =	vst v63  }
0xc: {  	_ =	swait.ge [sflag:s8], $0x1000  }
0xd: {  	[sflag:s8] =	ssyncset.done $0x0  }
0xe: {  	s9 =	simm.s32 $0x1200;
	[sflag:s8] =	ssyncadd.s32 $0xFFFFF000  }
0xf: {  	[tilespmem:s9], [sflag:$0x1] =	stream.indirect.gather [hbm4b:s1+s6], $0x20, s6, s6, $0xb8;
	[tilespmem:$0x4200] =	vst v63  }
0x10: {  	_ =	swait.ge [sflag:s8], $0x1000  }
0x11: {  	s10 =	simm.s32 $0x100;
	[sflag:s8] =	ssyncset.done $0x0  }
0x12: {  	s11 =	simm.s32 $0x2200;
	s16 =	ssub.s32 $0x2, s12;
	[sflag:s8] =	ssyncadd.s32 $0xFFFFF000  }
0x13: {  	[tilespmem:s11], [sflag:$0x1] =	stream.indirect.gather [hbm4b:s1+s6], $0x20, s10, s6, $0xb8;
	[tilespmem:$0x4200] =	vst v63  }
0x14: {  	s17 =	sshrl.u32 s16, $0x1;
	_ =	swait.ge [sflag:s8], $0x1000  }
0x15: {  	s13 =	simm.s32 $0x3200;
	s16 =	ssub.s32 s16, s17;
	[sflag:s8] =	ssyncset.done $0x0  }
0x16: {  	s12 =	simm.s32 $0x180;
	s31 =	smax.u32 s16, $0x1;
	[sflag:s8] =	ssyncadd.s32 $0xFFFFF000  }
0x17: {  	[tilespmem:s13], [sflag:$0x1] =	stream.indirect.gather [hbm4b:s1+s6], $0x20, s12, s6, $0xb8;
	[tilespmem:$0x4200] =	vst v63  }
0x18: {  	p0 =	sne.s32 s31, $0x1;
	_ =	swait.ge [sflag:s8], $0x1000  }
.Ltmp0:
0x19: {  	s15 =	sshll.u32 s15, $0x2;
	[sflag:s8] =	ssyncset.done $0x0;
	(pc) =	sbr.rel @!p0 .LBB2_2-.Ltmp0, $4  }
0x1a: {  	s14 =	sadd.s32 s14, s15;
	[sflag:s8] =	ssyncadd.s32 $0xFFFFF000  }
0x1b: {  	[hbm4b:s14+s3] =	stream.linear.scatter [tilespmem:s7], [sflag:$0x2], $0x4000, $0x38;
	[tilespmem:$0x4200] =	vst v63  }
0x1c: {  	_ =	swait.ge [sflag:s4], $0x4000  }
0x1d: {  	s15 =	sadd.s32 $0xFFFFFFFF, s31;
	[sflag:s4] =	ssyncset.done $0x0  }
.LBB2_1:
0x1e: {  	p0 =	sne.s32 s15, $0x1;
	s15 =	sadd.s32 $0xFFFFFFFF, s15;
	[sflag:s4] =	ssyncadd.s32 $0xFFFFC000  }
0x1f: {  	[tilespmem:s3], [sflag:$0x2] =	stream.linear.gather [hbm4b:s5+s3], $0x200, $0x38;
	[tilespmem:$0x4200] =	vst v63  }
0x20: {  	_ =	swait.ge [sflag:s4], $0x200  }
0x21: {  	[sflag:s4] =	ssyncset.done $0x0  }
0x22: {  	[sflag:s4] =	ssyncadd.s32 $0xFFFFFE00  }
0x23: {  	[tilespmem:s7], [sflag:$0x1] =	stream.indirect.gather [hbm4b:s1+s6], $0x20, s3, s6, $0xb8;
	[tilespmem:$0x4200] =	vst v63  }
0x24: {  	_ =	swait.ge [sflag:s8], $0x1000  }
0x25: {  	[sflag:s8] =	ssyncset.done $0x0  }
0x26: {  	[sflag:s8] =	ssyncadd.s32 $0xFFFFF000  }
0x27: {  	[tilespmem:s9], [sflag:$0x1] =	stream.indirect.gather [hbm4b:s1+s6], $0x20, s6, s6, $0xb8;
	[tilespmem:$0x4200] =	vst v63  }
0x28: {  	_ =	swait.ge [sflag:s8], $0x1000  }
0x29: {  	[sflag:s8] =	ssyncset.done $0x0  }
0x2a: {  	[sflag:s8] =	ssyncadd.s32 $0xFFFFF000  }
0x2b: {  	[tilespmem:s11], [sflag:$0x1] =	stream.indirect.gather [hbm4b:s1+s6], $0x20, s10, s6, $0xb8;
	[tilespmem:$0x4200] =	vst v63  }
0x2c: {  	_ =	swait.ge [sflag:s8], $0x1000  }
0x2d: {  	[sflag:s8] =	ssyncset.done $0x0  }
0x2e: {  	[sflag:s8] =	ssyncadd.s32 $0xFFFFF000  }
0x2f: {  	[tilespmem:s13], [sflag:$0x1] =	stream.indirect.gather [hbm4b:s1+s6], $0x20, s12, s6, $0xb8;
	[tilespmem:$0x4200] =	vst v63  }
0x30: {  	_ =	swait.ge [sflag:s8], $0x1000  }
.Ltmp1:
0x31: {  	[sflag:s8] =	ssyncset.done $0x0;
	(pc) =	sbr.rel @p0 .LBB2_1-.Ltmp1, $4  }
0x32: {  	[sflag:s8] =	ssyncadd.s32 $0xFFFFF000  }
0x33: {  	[hbm4b:s14+s3] =	stream.linear.scatter [tilespmem:s7], [sflag:$0x2], $0x4000, $0x38;
	[tilespmem:$0x4200] =	vst v63  }
0x34: {  	_ =	swait.ge [sflag:s4], $0x4000  }
0x35: {  	[sflag:s4] =	ssyncset.done $0x0  }
.LBB2_2:
0x36: {  	[sflag:s4] =	ssyncadd.s32 $0xFFFFC000  }
0x37: {  	_ =	sfence.sel $0x180000  }
0x38: {  	[bflag:$0x0] =	sbarrier.arrive $0xFFFF  }
0x39: {  	p0 =	sne.s32 s0, $0x0;
	_ =	strace $0x90000047  }
0x3a: {  	s0 =	sadd.s32 @!p0 $0x100000, s2;
	[bflag:$0x2] =	sbarrier.arrive $0xFFFF  }
0x3b: {  	[sflag:s0] =	ssyncadd.tile.s32 @!p0 $0x1;
	_ =	shalt  }
.Lfunc_end2:
_tile_overlayer_lowered:
.L_overlay_start_2:
0x3c: {  	(tag) =	ssettag $0x2  }
0x3d: {  	s0 =	rddreg [dreg:$0x0];
	s2 =	stileid.u32  }
0x3e: {  	s1 =	rddreg [dreg:$0x1];
	p0 =	sne.s32 s2, $0x0  }
0x3f: {  	s3 =	rddreg [dreg:$0x2];
	[bflag:$0x3] =	sbarrier.arrive $0xFFFF;
	s2 =	simm.s32 @!p0 $0x1C02  }
0x40: {  	[timem:s3], [sflag:s2] =	dma.local @!p0 [hbm:s0], s1  }
0x41: {  	s0 =	simm.s32 @!p0 $0x2  }
0x42: {  	_ =	swait.ge @!p0 [sflag:s0], s1  }
0x43: {  	s1 =	ssub.s32 @!p0 $0x0, s1;
	[sflag:s0] =	ssyncset.done @!p0 $0x0  }
0x44: {  	[sflag:s0] =	ssyncadd.s32 @!p0 s1  }
0x45: {  	[bflag:$0x3] =	sbarrier.arrive $0xFFFF  }
0x46: {  	_ =	shalt  }

</sc_bundles>
